<compile_context>
chip_gen: v7x
topology: tpu7x:2x2x1
jax: 0.10.2.dev20260603
libtpu: 0.0.44.dev20260713+nightly
codegen_flags: <defaults>
</compile_context>

<pallas_src>
import jax
import jax.numpy as jnp
from jax import lax
from jax.experimental import pallas as pl
from jax.experimental.pallas import tpu as pltpu
from jax.experimental.pallas import tpu_sc as plsc
import functools

NP = 256
H = 768
NB = 32
BI = 8
U_ROWS = 512
MID0, MID = 192, 128
NC, NS = 2, 16
NW = NC * NS
RPW = MID // NW


def _sc_lookup_body(tab_hbm, u2_hbm, idx, rows, sem):
    wid = lax.axis_index("s") * NC + lax.axis_index("c")
    k0 = MID0 + wid * RPW

    lane = lax.broadcasted_iota(jnp.int32, (16,), 0)
    kv = k0 + lax.rem(lane, RPW)
    d = jnp.abs(255 - kv)
    c = jnp.minimum(d, NB)
    b = (NB + 1) + jnp.minimum(lax.shift_right_logical(d, 1), NB - 1)
    idx[...] = jnp.where(lane < RPW, c, b)

    pltpu.async_copy(tab_hbm.at[idx.at[pl.ds(0, 2 * RPW)]], rows, sem).wait()
    pltpu.async_copy(rows, u2_hbm.at[wid], sem).wait()


@functools.partial(
    pl.kernel,
    out_type=jax.ShapeDtypeStruct((NW, 2 * RPW, H), jnp.float32),
    mesh=plsc.VectorSubcoreMesh(core_axis_name="c", subcore_axis_name="s"),
    scratch_types=[
        pltpu.VMEM((16,), jnp.int32),
        pltpu.VMEM((2 * RPW, H), jnp.float32),
        pltpu.SemaphoreType.DMA,
    ],
)
def _sc_lookup(*args):
    _sc_lookup_body(*args)


def _tc_broadcast(u2_ref, out_ref, u_ref):
    pid = pl.program_id(0)

    @pl.when(pid == 0)
    def _build_u():
        u2 = u2_ref[...]
        mid = (u2[:, :RPW, :] + u2[:, RPW:, :]).reshape(MID, H)
        const = jnp.broadcast_to(mid[0:1], (U_ROWS - MID0 - MID, H))
        u_ref[pl.ds(0, MID0), :] = const[:MID0]
        u_ref[pl.ds(MID0, MID), :] = mid
        u_ref[pl.ds(MID0 + MID, U_ROWS - MID0 - MID), :] = const

    for ii in range(BI):
        s = 255 - (pid * BI + ii)
        r = (7 - ii) % 8
        q8 = pl.multiple_of(s - r, 8)
        tmp = u_ref[pl.ds(q8, NP + 8), :]
        out_ref[ii] = tmp[r:r + NP]


@jax.jit
def kernel(token_embeddings, rel_height, rel_width):
    tab = jnp.concatenate(
        [jnp.concatenate([rel_height, rel_width], axis=1), token_embeddings],
        axis=0)
    u2 = _sc_lookup(tab)
    return pl.pallas_call(
        _tc_broadcast,
        grid=(NP // BI,),
        in_specs=[pl.BlockSpec((NW, 2 * RPW, H), lambda i: (0, 0, 0))],
        out_specs=pl.BlockSpec((BI, NP, H), lambda i: (i, 0, 0)),
        out_shape=jax.ShapeDtypeStruct((NP, NP, H), jnp.float32),
        scratch_shapes=[pltpu.VMEM((U_ROWS, H), jnp.float32)],
    )(u2)

# --- scband reference (transcript-rebuilt; emitter-appended) ---
"""Pipeline reference for scband-relative-positional-embedding-3968549782394 (READ-ONLY COPY).

The authoritative reference and input builder live on the scoring server;
editing this copy changes nothing except your own understanding.
"""

import jax, jax.numpy as jnp
import numpy as np

NUM_PATCHES = 256
HIDDEN_DIM = 768
NUM_BUCKETS = 32


def setup_inputs(seed: int = 0) -> dict:
    key = jax.random.key(seed)
    k1, k2, k3 = jax.random.split(key, 3)
    token_embeddings = jax.random.normal(k1, (NUM_BUCKETS * 2 + 1, HIDDEN_DIM), dtype=jnp.float32) * 0.02
    rel_height = jax.random.normal(k2, (NUM_BUCKETS + 1, HIDDEN_DIM // 2), dtype=jnp.float32) * 0.02
    rel_width = jax.random.normal(k3, (NUM_BUCKETS + 1, HIDDEN_DIM // 2), dtype=jnp.float32) * 0.02
    return {"token_embeddings": token_embeddings, "rel_height": rel_height, "rel_width": rel_width}


def reference(token_embeddings, rel_height, rel_width):
    i, j = jnp.meshgrid(jnp.arange(NUM_PATCHES), jnp.arange(NUM_PATCHES), indexing="ij")
    rel_dist = jnp.abs(i - j)
    clamped = jnp.clip(rel_dist, 0, NUM_BUCKETS)
    rel_height_embeddings = jnp.take(rel_height, clamped, axis=0)
    rel_width_embeddings = jnp.take(rel_width, clamped, axis=0)
    rel_embeddings = jnp.concatenate((rel_height_embeddings, rel_width_embeddings), axis=-1)
    rel_pos_bucket = jnp.minimum(jnp.floor(rel_dist / 2), NUM_BUCKETS - 1).astype(jnp.int32)
    bucket_embeddings = jnp.take(token_embeddings, rel_pos_bucket, axis=0)
    return rel_embeddings + bucket_embeddings

if __name__ == "__main__":
    import jax
    _d = setup_inputs()
    print(jax.jit(kernel)(*tuple(_d.values())))

</pallas_src>

<mosaic_0001>
#map = affine_map<(d0, d1) -> (0, 0)>
#map1 = affine_map<(d0, d1) -> (0, 0, 0)>
module attributes {stable_mosaic.version = 14 : i64} {
  func.func @_sc_lookup(%arg0: i32, %arg1: i32, %arg2: memref<98x768xf32, #tpu.memory_space<hbm>>, %arg3: memref<32x8x768xf32, #tpu.memory_space<hbm>>, %arg4: memref<16xi32, #tpu.memory_space<vmem>>, %arg5: memref<8x768xf32, #tpu.memory_space<vmem>>, %arg6: memref<!tpu.dma_semaphore, #tpu.memory_space<semaphore_mem>>) attributes {dimension_semantics = [#tpu.dimension_semantics<core_parallel>, #tpu.dimension_semantics<subcore_parallel>], iteration_bounds = array<i64: 2, 16>, scalar_prefetch = 0 : i64, scratch_operands = 3 : i64, tpu.core_type = #tpu.core_type<sc_vector_subcore>, window_params = [{transform_indices = #map}, {transform_indices = #map1}]} {
    %mul3A = arith.constant 2 : i32
    %mul3A_0 = arith.muli %arg1, %mul3A : i32
    %add3A = arith.addi %mul3A_0, %arg0 : i32
    %mul3A_1 = arith.constant 4 : i32
    %mul3A_2 = arith.muli %add3A, %mul3A_1 : i32
    %add3A_3 = arith.constant 192 : i32
    %add3A_4 = arith.addi %add3A_3, %mul3A_2 : i32
    %iota3A = tpu.iota {dimensions = array<i32: 0>} : vector<16xi32>
    %rem3A = arith.constant 4 : i32
    %rem3A_5 = vector.broadcast %rem3A : i32 to vector<16xi32>
    %rem3A_6 = arith.remsi %iota3A, %rem3A_5 : vector<16xi32>
    %add3A_7 = vector.broadcast %add3A_4 : i32 to vector<16xi32>
    %add3A_8 = arith.addi %add3A_7, %rem3A_6 : vector<16xi32>
    %sub3A = arith.constant 255 : i32
    %sub3A_9 = vector.broadcast %sub3A : i32 to vector<16xi32>
    %sub3A_10 = arith.subi %sub3A_9, %add3A_8 : vector<16xi32>
    %abs3A = math.absi %sub3A_10 : vector<16xi32>
    %min3A = arith.constant 32 : i32
    %min3A_11 = vector.broadcast %min3A : i32 to vector<16xi32>
    %min3A_12 = arith.minsi %abs3A, %min3A_11 : vector<16xi32>
    %shift_right_logical3A = arith.constant 1 : i32
    %shift_right_logical3A_13 = vector.broadcast %shift_right_logical3A : i32 to vector<16xi32>
    %shift_right_logical3A_14 = arith.shrui %abs3A, %shift_right_logical3A_13 : vector<16xi32>
    %min3A_15 = arith.constant 31 : i32
    %min3A_16 = vector.broadcast %min3A_15 : i32 to vector<16xi32>
    %min3A_17 = arith.minsi %shift_right_logical3A_14, %min3A_16 : vector<16xi32>
    %add3A_18 = arith.constant 33 : i32
    %add3A_19 = vector.broadcast %add3A_18 : i32 to vector<16xi32>
    %add3A_20 = arith.addi %add3A_19, %min3A_17 : vector<16xi32>
    %lt3A = arith.constant 4 : i32
    %lt3A_21 = vector.broadcast %lt3A : i32 to vector<16xi32>
    %lt3A_22 = arith.cmpi slt, %iota3A, %lt3A_21 : vector<16xi32>
    %select_n3A = arith.select %lt3A_22, %min3A_12, %add3A_20 : vector<16xi1>, vector<16xi32>
    %swap3A = arith.constant 0 : index
    %swap3A_23 = tpu.vector_load %arg4[%swap3A] {strides = array<i32>} : memref<16xi32, #tpu.memory_space<vmem>>, vector<16xi32>,
    %swap3A_24 = vector.shape_cast %swap3A_23 : vector<16xi32> to vector<16xi32>
    %swap3A_25 = vector.shape_cast %select_n3A : vector<16xi32> to vector<16xi32>
    tpu.vector_store %arg4[%swap3A], %swap3A_25 {strides = array<i32>} : memref<16xi32, #tpu.memory_space<vmem>>, vector<16xi32>,
    %dma_start3A = arith.constant 0 : i32
    %dma_start3A_26 = tpu.memref_slice %arg4[%dma_start3A] : memref<16xi32, #tpu.memory_space<vmem>> -> memref<8xi32, #tpu.memory_space<vmem>>
    %dma_start3A_27 = arith.constant 0 : i32
    %dma_start3A_28 = arith.constant 0 : i32
    %dma_start3A_29 = tpu.memref_slice %arg2[%dma_start3A_27, %dma_start3A_28] : memref<98x768xf32, #tpu.memory_space<hbm>> -> memref<98x768xf32, #tpu.memory_space<hbm>>
    tpu.enqueue_indirect_dma source(%dma_start3A_29 : memref<98x768xf32, #tpu.memory_space<hbm>>) target(%arg5 : memref<8x768xf32, #tpu.memory_space<vmem>>) offsets(%dma_start3A_26 : memref<8xi32, #tpu.memory_space<vmem>>) semaphore(%arg6 : memref<!tpu.dma_semaphore, #tpu.memory_space<semaphore_mem>>)
    %dma_wait3A = arith.constant 0 : i32
    %dma_wait3A_30 = tpu.memref_slice %arg4[%dma_wait3A] : memref<16xi32, #tpu.memory_space<vmem>> -> memref<8xi32, #tpu.memory_space<vmem>>
    %dma_wait3A_31 = arith.constant 0 : i32
    %dma_wait3A_32 = arith.constant 0 : i32
    %dma_wait3A_33 = tpu.memref_slice %arg2[%dma_wait3A_31, %dma_wait3A_32] : memref<98x768xf32, #tpu.memory_space<hbm>> -> memref<98x768xf32, #tpu.memory_space<hbm>>
    tpu.wait_indirect_dma semaphore(%arg6 : memref<!tpu.dma_semaphore, #tpu.memory_space<semaphore_mem>>) src(%dma_wait3A_33 : memref<98x768xf32, #tpu.memory_space<hbm>>) dst(%arg5 : memref<8x768xf32, #tpu.memory_space<vmem>>)
    %dma_start3A_34 = arith.constant 0 : i32
    %dma_start3A_35 = arith.constant 0 : i32
    %dma_start3A_36 = tpu.memref_slice %arg3[%add3A, %dma_start3A_34, %dma_start3A_35] : memref<32x8x768xf32, #tpu.memory_space<hbm>> -> memref<1x8x768xf32, #tpu.memory_space<hbm>>
    %dma_start3A_37 = tpu.memref_squeeze %dma_start3A_36 : memref<1x8x768xf32, #tpu.memory_space<hbm>> -> memref<8x768xf32, #tpu.memory_space<hbm>>
    %dma_start3A_38 = arith.constant 0 : i32
    %dma_start3A_39 = arith.constant 0 : i32
    %dma_start3A_40 = tpu.memref_slice %arg3[%add3A, %dma_start3A_38, %dma_start3A_39] : memref<32x8x768xf32, #tpu.memory_space<hbm>> -> memref<1x8x768xf32, #tpu.memory_space<hbm>>
    %dma_start3A_41 = tpu.memref_squeeze %dma_start3A_40 : memref<1x8x768xf32, #tpu.memory_space<hbm>> -> memref<8x768xf32, #tpu.memory_space<hbm>>
    tpu.enqueue_dma source(%arg5 : memref<8x768xf32, #tpu.memory_space<vmem>>) target(%dma_start3A_41 : memref<8x768xf32, #tpu.memory_space<hbm>>) target_semaphore(%arg6 : memref<!tpu.dma_semaphore, #tpu.memory_space<semaphore_mem>>)
    %dma_wait3A_42 = arith.constant 0 : i32
    %dma_wait3A_43 = arith.constant 0 : i32
    %dma_wait3A_44 = tpu.memref_slice %arg3[%add3A, %dma_wait3A_42, %dma_wait3A_43] : memref<32x8x768xf32, #tpu.memory_space<hbm>> -> memref<1x8x768xf32, #tpu.memory_space<hbm>>
    %dma_wait3A_45 = tpu.memref_squeeze %dma_wait3A_44 : memref<1x8x768xf32, #tpu.memory_space<hbm>> -> memref<8x768xf32, #tpu.memory_space<hbm>>
    %dma_wait3A_46 = arith.constant 0 : i32
    %dma_wait3A_47 = arith.constant 0 : i32
    %dma_wait3A_48 = tpu.memref_slice %arg3[%add3A, %dma_wait3A_46, %dma_wait3A_47] : memref<32x8x768xf32, #tpu.memory_space<hbm>> -> memref<1x8x768xf32, #tpu.memory_space<hbm>>
    %dma_wait3A_49 = tpu.memref_squeeze %dma_wait3A_48 : memref<1x8x768xf32, #tpu.memory_space<hbm>> -> memref<8x768xf32, #tpu.memory_space<hbm>>
    tpu.wait_dma2 semaphore(%arg6 : memref<!tpu.dma_semaphore, #tpu.memory_space<semaphore_mem>>) src(%arg5 : memref<8x768xf32, #tpu.memory_space<vmem>>) dst(%dma_wait3A_49 : memref<8x768xf32, #tpu.memory_space<hbm>>)
    return
  }
}

module attributes {stable_mosaic.version = 14 : i64} {
  func.func @_tc_broadcast(%arg0: i32, %arg1: memref<32x8x768xf32, #tpu.memory_space<vmem>>, %arg2: memref<8x256x768xf32, #tpu.memory_space<vmem>>, %arg3: memref<512x768xf32, #tpu.memory_space<vmem>>) attributes {dimension_semantics = [#tpu.dimension_semantics<arbitrary>], iteration_bounds = array<i64: 32>, scalar_prefetch = 0 : i64, scratch_operands = 1 : i64, tpu.core_type = #tpu.core_type<tc>, window_params = [{pipeline_mode = #tpu.pipeline_mode<synchronous>, transform_indices = @transform_0, window_bounds = array<i64: 32, 8, 768>}, {transform_indices = @transform_1, window_bounds = array<i64: 8, 256, 768>}]} {
    %eq3A = arith.constant 0 : i32
    %eq3A_0 = arith.cmpi eq, %arg0, %eq3A : i32
    %convert_element_type3A = arith.extui %eq3A_0 : i1 to i32
    %cond3A = arith.constant 0 : i32
    %cond3A_1 = arith.cmpi ne, %convert_element_type3A, %cond3A : i32
    scf.if %cond3A_1 {
      %get3A_147 = arith.constant 0 : index
      %get3A_148 = arith.constant 0 : index
      %get3A_149 = arith.constant 0 : index
      %get3A_150 = vector.load %arg1[%get3A_147, %get3A_148, %get3A_149] : memref<32x8x768xf32, #tpu.memory_space<vmem>>, vector<32x8x768xf32>
      %slice3A_151 = vector.extract_strided_slice %get3A_150 {offsets = [0, 0, 0], sizes = [32, 4, 768], strides = [1, 1, 1]} : vector<32x8x768xf32> to vector<32x4x768xf32>
      %slice3A_152 = vector.extract_strided_slice %get3A_150 {offsets = [0, 4, 0], sizes = [32, 4, 768], strides = [1, 1, 1]} : vector<32x8x768xf32> to vector<32x4x768xf32>
      %add3A_153 = arith.addf %slice3A_151, %slice3A_152 : vector<32x4x768xf32>
      %reshape3A = vector.shape_cast %add3A_153 : vector<32x4x768xf32> to vector<128x768xf32>
      %slice3A_154 = vector.extract_strided_slice %reshape3A {offsets = [0, 0], sizes = [1, 768], strides = [1, 1]} : vector<128x768xf32> to vector<1x768xf32>
      %broadcast_in_dim3A = vector.shape_cast %slice3A_154 : vector<1x768xf32> to vector<1x768xf32>
      %broadcast_in_dim3A_155 = vector.broadcast %broadcast_in_dim3A : vector<1x768xf32> to vector<192x768xf32>
      %swap3A_156 = arith.constant 0 : index
      %swap3A_157 = arith.constant 0 : index
      %swap3A_158 = vector.load %arg3[%swap3A_156, %swap3A_157] : memref<512x768xf32, #tpu.memory_space<vmem>>, vector<192x768xf32>
      tpu.vector_store %arg3[%swap3A_156, %swap3A_157], %broadcast_in_dim3A_155 {strides = array<i32>} : memref<512x768xf32, #tpu.memory_space<vmem>>, vector<192x768xf32>,
      %swap3A_159 = arith.constant 192 : index
      %swap3A_160 = arith.constant 0 : index
      %swap3A_161 = vector.load %arg3[%swap3A_159, %swap3A_160] : memref<512x768xf32, #tpu.memory_space<vmem>>, vector<128x768xf32>
      tpu.vector_store %arg3[%swap3A_159, %swap3A_160], %reshape3A {strides = array<i32>} : memref<512x768xf32, #tpu.memory_space<vmem>>, vector<128x768xf32>,
      %swap3A_162 = arith.constant 320 : index
      %swap3A_163 = arith.constant 0 : index
      %swap3A_164 = vector.load %arg3[%swap3A_162, %swap3A_163] : memref<512x768xf32, #tpu.memory_space<vmem>>, vector<192x768xf32>
      tpu.vector_store %arg3[%swap3A_162, %swap3A_163], %broadcast_in_dim3A_155 {strides = array<i32>} : memref<512x768xf32, #tpu.memory_space<vmem>>, vector<192x768xf32>,
    } else {
    }
    %mul3A = arith.constant 8 : i32
    %mul3A_2 = arith.muli %arg0, %mul3A : i32
    %add3A = arith.constant 0 : i32
    %add3A_3 = arith.addi %mul3A_2, %add3A : i32
    %sub3A = arith.constant 255 : i32
    %sub3A_4 = arith.subi %sub3A, %add3A_3 : i32
    %sub3A_5 = arith.constant 7 : i32
    %sub3A_6 = arith.subi %sub3A_4, %sub3A_5 : i32
    %multiple_of3A = tpu.assume_multiple %sub3A_6, 8 : i32
    %get3A = arith.index_cast %multiple_of3A : i32 to index
    %get3A_7 = arith.constant 0 : index
    %get3A_8 = vector.load %arg3[%get3A, %get3A_7] : memref<512x768xf32, #tpu.memory_space<vmem>>, vector<264x768xf32>
    %slice3A = vector.extract_strided_slice %get3A_8 {offsets = [7, 0], sizes = [256, 768], strides = [1, 1]} : vector<264x768xf32> to vector<256x768xf32>
    %swap3A = arith.constant 0 : index
    %swap3A_9 = arith.constant 0 : index
    %swap3A_10 = arith.constant 0 : index
    %swap3A_11 = vector.load %arg2[%swap3A, %swap3A_9, %swap3A_10] : memref<8x256x768xf32, #tpu.memory_space<vmem>>, vector<1x256x768xf32>
    %swap3A_12 = vector.shape_cast %swap3A_11 : vector<1x256x768xf32> to vector<256x768xf32>
    %swap3A_13 = vector.shape_cast %slice3A : vector<256x768xf32> to vector<1x256x768xf32>
    tpu.vector_store %arg2[%swap3A, %swap3A_9, %swap3A_10], %swap3A_13 {strides = array<i32>} : memref<8x256x768xf32, #tpu.memory_space<vmem>>, vector<1x256x768xf32>,
    %mul3A_14 = arith.constant 8 : i32
    %mul3A_15 = arith.muli %arg0, %mul3A_14 : i32
    %add3A_16 = arith.constant 1 : i32
    %add3A_17 = arith.addi %mul3A_15, %add3A_16 : i32
    %sub3A_18 = arith.constant 255 : i32
    %sub3A_19 = arith.subi %sub3A_18, %add3A_17 : i32
    %sub3A_20 = arith.constant 6 : i32
    %sub3A_21 = arith.subi %sub3A_19, %sub3A_20 : i32
    %multiple_of3A_22 = tpu.assume_multiple %sub3A_21, 8 : i32
    %get3A_23 = arith.index_cast %multiple_of3A_22 : i32 to index
    %get3A_24 = arith.constant 0 : index
    %get3A_25 = vector.load %arg3[%get3A_23, %get3A_24] : memref<512x768xf32, #tpu.memory_space<vmem>>, vector<264x768xf32>
    %slice3A_26 = vector.extract_strided_slice %get3A_25 {offsets = [6, 0], sizes = [256, 768], strides = [1, 1]} : vector<264x768xf32> to vector<256x768xf32>
    %swap3A_27 = arith.constant 1 : index
    %swap3A_28 = arith.constant 0 : index
    %swap3A_29 = arith.constant 0 : index
    %swap3A_30 = vector.load %arg2[%swap3A_27, %swap3A_28, %swap3A_29] : memref<8x256x768xf32, #tpu.memory_space<vmem>>, vector<1x256x768xf32>
    %swap3A_31 = vector.shape_cast %swap3A_30 : vector<1x256x768xf32> to vector<256x768xf32>
    %swap3A_32 = vector.shape_cast %slice3A_26 : vector<256x768xf32> to vector<1x256x768xf32>
    tpu.vector_store %arg2[%swap3A_27, %swap3A_28, %swap3A_29], %swap3A_32 {strides = array<i32>} : memref<8x256x768xf32, #tpu.memory_space<vmem>>, vector<1x256x768xf32>,
    %mul3A_33 = arith.constant 8 : i32
    %mul3A_34 = arith.muli %arg0, %mul3A_33 : i32
    %add3A_35 = arith.constant 2 : i32
    %add3A_36 = arith.addi %mul3A_34, %add3A_35 : i32
    %sub3A_37 = arith.constant 255 : i32
    %sub3A_38 = arith.subi %sub3A_37, %add3A_36 : i32
    %sub3A_39 = arith.constant 5 : i32
    %sub3A_40 = arith.subi %sub3A_38, %sub3A_39 : i32
    %multiple_of3A_41 = tpu.assume_multiple %sub3A_40, 8 : i32
    %get3A_42 = arith.index_cast %multiple_of3A_41 : i32 to index
    %get3A_43 = arith.constant 0 : index
    %get3A_44 = vector.load %arg3[%get3A_42, %get3A_43] : memref<512x768xf32, #tpu.memory_space<vmem>>, vector<264x768xf32>
    %slice3A_45 = vector.extract_strided_slice %get3A_44 {offsets = [5, 0], sizes = [256, 768], strides = [1, 1]} : vector<264x768xf32> to vector<256x768xf32>
    %swap3A_46 = arith.constant 2 : index
    %swap3A_47 = arith.constant 0 : index
    %swap3A_48 = arith.constant 0 : index
    %swap3A_49 = vector.load %arg2[%swap3A_46, %swap3A_47, %swap3A_48] : memref<8x256x768xf32, #tpu.memory_space<vmem>>, vector<1x256x768xf32>
    %swap3A_50 = vector.shape_cast %swap3A_49 : vector<1x256x768xf32> to vector<256x768xf32>
    %swap3A_51 = vector.shape_cast %slice3A_45 : vector<256x768xf32> to vector<1x256x768xf32>
    tpu.vector_store %arg2[%swap3A_46, %swap3A_47, %swap3A_48], %swap3A_51 {strides = array<i32>} : memref<8x256x768xf32, #tpu.memory_space<vmem>>, vector<1x256x768xf32>,
    %mul3A_52 = arith.constant 8 : i32
    %mul3A_53 = arith.muli %arg0, %mul3A_52 : i32
    %add3A_54 = arith.constant 3 : i32
    %add3A_55 = arith.addi %mul3A_53, %add3A_54 : i32
    %sub3A_56 = arith.constant 255 : i32
    %sub3A_57 = arith.subi %sub3A_56, %add3A_55 : i32
    %sub3A_58 = arith.constant 4 : i32
    %sub3A_59 = arith.subi %sub3A_57, %sub3A_58 : i32
    %multiple_of3A_60 = tpu.assume_multiple %sub3A_59, 8 : i32
    %get3A_61 = arith.index_cast %multiple_of3A_60 : i32 to index
    %get3A_62 = arith.constant 0 : index
    %get3A_63 = vector.load %arg3[%get3A_61, %get3A_62] : memref<512x768xf32, #tpu.memory_space<vmem>>, vector<264x768xf32>
    %slice3A_64 = vector.extract_strided_slice %get3A_63 {offsets = [4, 0], sizes = [256, 768], strides = [1, 1]} : vector<264x768xf32> to vector<256x768xf32>
    %swap3A_65 = arith.constant 3 : index
    %swap3A_66 = arith.constant 0 : index
    %swap3A_67 = arith.constant 0 : index
    %swap3A_68 = vector.load %arg2[%swap3A_65, %swap3A_66, %swap3A_67] : memref<8x256x768xf32, #tpu.memory_space<vmem>>, vector<1x256x768xf32>
    %swap3A_69 = vector.shape_cast %swap3A_68 : vector<1x256x768xf32> to vector<256x768xf32>
    %swap3A_70 = vector.shape_cast %slice3A_64 : vector<256x768xf32> to vector<1x256x768xf32>
    tpu.vector_store %arg2[%swap3A_65, %swap3A_66, %swap3A_67], %swap3A_70 {strides = array<i32>} : memref<8x256x768xf32, #tpu.memory_space<vmem>>, vector<1x256x768xf32>,
    %mul3A_71 = arith.constant 8 : i32
    %mul3A_72 = arith.muli %arg0, %mul3A_71 : i32
    %add3A_73 = arith.constant 4 : i32
    %add3A_74 = arith.addi %mul3A_72, %add3A_73 : i32
    %sub3A_75 = arith.constant 255 : i32
    %sub3A_76 = arith.subi %sub3A_75, %add3A_74 : i32
    %sub3A_77 = arith.constant 3 : i32
    %sub3A_78 = arith.subi %sub3A_76, %sub3A_77 : i32
    %multiple_of3A_79 = tpu.assume_multiple %sub3A_78, 8 : i32
    %get3A_80 = arith.index_cast %multiple_of3A_79 : i32 to index
    %get3A_81 = arith.constant 0 : index
    %get3A_82 = vector.load %arg3[%get3A_80, %get3A_81] : memref<512x768xf32, #tpu.memory_space<vmem>>, vector<264x768xf32>
    %slice3A_83 = vector.extract_strided_slice %get3A_82 {offsets = [3, 0], sizes = [256, 768], strides = [1, 1]} : vector<264x768xf32> to vector<256x768xf32>
    %swap3A_84 = arith.constant 4 : index
    %swap3A_85 = arith.constant 0 : index
    %swap3A_86 = arith.constant 0 : index
    %swap3A_87 = vector.load %arg2[%swap3A_84, %swap3A_85, %swap3A_86] : memref<8x256x768xf32, #tpu.memory_space<vmem>>, vector<1x256x768xf32>
    %swap3A_88 = vector.shape_cast %swap3A_87 : vector<1x256x768xf32> to vector<256x768xf32>
    %swap3A_89 = vector.shape_cast %slice3A_83 : vector<256x768xf32> to vector<1x256x768xf32>
    tpu.vector_store %arg2[%swap3A_84, %swap3A_85, %swap3A_86], %swap3A_89 {strides = array<i32>} : memref<8x256x768xf32, #tpu.memory_space<vmem>>, vector<1x256x768xf32>,
    %mul3A_90 = arith.constant 8 : i32
    %mul3A_91 = arith.muli %arg0, %mul3A_90 : i32
    %add3A_92 = arith.constant 5 : i32
    %add3A_93 = arith.addi %mul3A_91, %add3A_92 : i32
    %sub3A_94 = arith.constant 255 : i32
    %sub3A_95 = arith.subi %sub3A_94, %add3A_93 : i32
    %sub3A_96 = arith.constant 2 : i32
    %sub3A_97 = arith.subi %sub3A_95, %sub3A_96 : i32
    %multiple_of3A_98 = tpu.assume_multiple %sub3A_97, 8 : i32
    %get3A_99 = arith.index_cast %multiple_of3A_98 : i32 to index
    %get3A_100 = arith.constant 0 : index
    %get3A_101 = vector.load %arg3[%get3A_99, %get3A_100] : memref<512x768xf32, #tpu.memory_space<vmem>>, vector<264x768xf32>
    %slice3A_102 = vector.extract_strided_slice %get3A_101 {offsets = [2, 0], sizes = [256, 768], strides = [1, 1]} : vector<264x768xf32> to vector<256x768xf32>
    %swap3A_103 = arith.constant 5 : index
    %swap3A_104 = arith.constant 0 : index
    %swap3A_105 = arith.constant 0 : index
    %swap3A_106 = vector.load %arg2[%swap3A_103, %swap3A_104, %swap3A_105] : memref<8x256x768xf32, #tpu.memory_space<vmem>>, vector<1x256x768xf32>
    %swap3A_107 = vector.shape_cast %swap3A_106 : vector<1x256x768xf32> to vector<256x768xf32>
    %swap3A_108 = vector.shape_cast %slice3A_102 : vector<256x768xf32> to vector<1x256x768xf32>
    tpu.vector_store %arg2[%swap3A_103, %swap3A_104, %swap3A_105], %swap3A_108 {strides = array<i32>} : memref<8x256x768xf32, #tpu.memory_space<vmem>>, vector<1x256x768xf32>,
    %mul3A_109 = arith.constant 8 : i32
    %mul3A_110 = arith.muli %arg0, %mul3A_109 : i32
    %add3A_111 = arith.constant 6 : i32
    %add3A_112 = arith.addi %mul3A_110, %add3A_111 : i32
    %sub3A_113 = arith.constant 255 : i32
    %sub3A_114 = arith.subi %sub3A_113, %add3A_112 : i32
    %sub3A_115 = arith.constant 1 : i32
    %sub3A_116 = arith.subi %sub3A_114, %sub3A_115 : i32
    %multiple_of3A_117 = tpu.assume_multiple %sub3A_116, 8 : i32
    %get3A_118 = arith.index_cast %multiple_of3A_117 : i32 to index
    %get3A_119 = arith.constant 0 : index
    %get3A_120 = vector.load %arg3[%get3A_118, %get3A_119] : memref<512x768xf32, #tpu.memory_space<vmem>>, vector<264x768xf32>
    %slice3A_121 = vector.extract_strided_slice %get3A_120 {offsets = [1, 0], sizes = [256, 768], strides = [1, 1]} : vector<264x768xf32> to vector<256x768xf32>
    %swap3A_122 = arith.constant 6 : index
    %swap3A_123 = arith.constant 0 : index
    %swap3A_124 = arith.constant 0 : index
    %swap3A_125 = vector.load %arg2[%swap3A_122, %swap3A_123, %swap3A_124] : memref<8x256x768xf32, #tpu.memory_space<vmem>>, vector<1x256x768xf32>
    %swap3A_126 = vector.shape_cast %swap3A_125 : vector<1x256x768xf32> to vector<256x768xf32>
    %swap3A_127 = vector.shape_cast %slice3A_121 : vector<256x768xf32> to vector<1x256x768xf32>
    tpu.vector_store %arg2[%swap3A_122, %swap3A_123, %swap3A_124], %swap3A_127 {strides = array<i32>} : memref<8x256x768xf32, #tpu.memory_space<vmem>>, vector<1x256x768xf32>,
    %mul3A_128 = arith.constant 8 : i32
    %mul3A_129 = arith.muli %arg0, %mul3A_128 : i32
    %add3A_130 = arith.constant 7 : i32
    %add3A_131 = arith.addi %mul3A_129, %add3A_130 : i32
    %sub3A_132 = arith.constant 255 : i32
    %sub3A_133 = arith.subi %sub3A_132, %add3A_131 : i32
    %sub3A_134 = arith.constant 0 : i32
    %sub3A_135 = arith.subi %sub3A_133, %sub3A_134 : i32
    %multiple_of3A_136 = tpu.assume_multiple %sub3A_135, 8 : i32
    %get3A_137 = arith.index_cast %multiple_of3A_136 : i32 to index
    %get3A_138 = arith.constant 0 : index
    %get3A_139 = vector.load %arg3[%get3A_137, %get3A_138] : memref<512x768xf32, #tpu.memory_space<vmem>>, vector<264x768xf32>
    %slice3A_140 = vector.extract_strided_slice %get3A_139 {offsets = [0, 0], sizes = [256, 768], strides = [1, 1]} : vector<264x768xf32> to vector<256x768xf32>
    %swap3A_141 = arith.constant 7 : index
    %swap3A_142 = arith.constant 0 : index
    %swap3A_143 = arith.constant 0 : index
    %swap3A_144 = vector.load %arg2[%swap3A_141, %swap3A_142, %swap3A_143] : memref<8x256x768xf32, #tpu.memory_space<vmem>>, vector<1x256x768xf32>
    %swap3A_145 = vector.shape_cast %swap3A_144 : vector<1x256x768xf32> to vector<256x768xf32>
    %swap3A_146 = vector.shape_cast %slice3A_140 : vector<256x768xf32> to vector<1x256x768xf32>
    tpu.vector_store %arg2[%swap3A_141, %swap3A_142, %swap3A_143], %swap3A_146 {strides = array<i32>} : memref<8x256x768xf32, #tpu.memory_space<vmem>>, vector<1x256x768xf32>,
    return
  }
  func.func @transform_0(%arg0: i32) -> (i32, i32, i32) {
    %c0_i32 = arith.constant 0 : i32
    %c0_i32_0 = arith.constant 0 : i32
    %c0_i32_1 = arith.constant 0 : i32
    %c0_i32_2 = arith.constant 0 : i32
    return %c0_i32, %c0_i32_0, %c0_i32_1 : i32, i32, i32
  }
  func.func @transform_1(%arg0: i32) -> (i32, i32, i32) {
    %c0_i32 = arith.constant 0 : i32
    %c0_i32_0 = arith.constant 0 : i32
    %c0_i32_1 = arith.constant 0 : i32
    return %arg0, %c0_i32, %c0_i32_0 : i32, i32, i32
  }
}

</mosaic_0001>

<sc_bundles>
// kernel: kernel.4.cloned.1.call-start
scs
__scs_entry_jumppad:
0x0: {  	(pc) =	sbr.rel $0x88, $3  }
0x1: {  	(tag) =	ssettag $0x0;
	lr =	simm.s32 $0x1  }
0x2: {  	[smem:$0x3F9E] =	sst lr;
	_ =	strace $0xD0000000  }
0x3: {  	_ = 	snop  }
0x4: {  	_ = 	snop  }
0x5: {  	_ = 	snop  }
0x6: {  	_ = 	snop  }
0x7: {  	_ = 	snop  }
__scs_overlays_trampoline_lowered:
0x8: {  	[smem:$0x3FAD] =	sst s0  }
0x9: {  	[smem:$0x3FAE] =	sst s1  }
0xa: {  	[smem:$0x3FAF] =	sst s2  }
0xb: {  	[smem:$0x3FB0] =	sst s3  }
0xc: {  	[smem:$0x3FB1] =	sst s4  }
0xd: {  	[smem:$0x3FB2] =	sst s5  }
0xe: {  	[smem:$0x3FB3] =	sst s6  }
0xf: {  	[smem:$0x3FB4] =	sst s7  }
0x10: {  	[smem:$0x3FB5] =	sst s8  }
0x11: {  	[smem:$0x3FB6] =	sst s9;
	s0 =	simm.s32 @!p0 $0x0  }
0x12: {  	s1 =	sld [smem:$0x3F9C];
	s0 =	simm.s32 @p0 $0x1  }
0x13: {  	[smem:$0x3FB7] =	sst s0;
	s0 =	simm.s32 @!p1 $0x0  }
0x14: {  	s2 =	sld [smem:$0x3F9B];
	s0 =	simm.s32 @p1 $0x1  }
0x15: {  	[smem:$0x3FB8] =	sst s0;
	s0 =	simm.s32 @!p2 $0x0  }
0x16: {  	s3 =	sld [smem:$0x3FDB];
	s0 =	simm.s32 @p2 $0x1  }
0x17: {  	s4 =	simm.s32 $0x1BF5;
	[smem:$0x3FBA] =	sst s0  }
0x18: {  	s0 =	sld [smem:$0x3F9D];
	_ =	swait.ge [sflag:s4], $0x0  }
0x19: {  	s7 =	sld [smem:$0x3F9E]  }
0x1a: {  	s8 =	sadd.s32 $0xFFFFE003, lr  }
0x1b: {  	s9 =	sadd.s32 $0xFFFFFEF7, lr;
	s5 =	simm.s32 $0xFFFFFFFF;
	p2 =	slt.u32 s8, $0xFFFFF086  }
0x1c: {  	p1 =	slt.u32 s9, $0xF7A;
	s5 =	simm.s32 @!p2 $0x0  }
0x1d: {  	s5 =	simm.s32 @p1 $0x1;
	p0 =	seq.s32 s7, s2  }
0x1e: {  	s7 =	smul.u32 @!p0 $0xF7A, s2;
	p2 =	seq.s32 @!p0 s5, $0x0  }
0x1f: {  	s9 =	smul.u32 $0xF7A, s1;
	s8 =	simm.s32 @!p0 $0x1BF5;
	p2 =	por !p2, p0  }
0x20: {  	[sflag:s8] =	ssyncset.s32 @!p0 $0xFFFFF086;
	s6 =	sadd.s32 @!p0 s3, s7;
	s7 =	simm.s32 @!p0 $0x108  }
0x21: {  	s3 =	sadd.s32 s3, s9;
	s6 =	sadd.s32 @!p0 $0x88, s6;
	s7 =	simm.s32 @p2 $0x1082  }
0x22: {  	[simem:s7], [sflag:s8] =	dma.local @!p0 [hbm:s6], $0xF7A  }
0x23: {  	s9 =	sor.u32 $0xD0000000, s2;
	s6 =	simm.s32 $0x108;
	_ =	swait.ge @!p0 [sflag:s8], $0x0  }
0x24: {  	s3 =	sadd.s32 $0x88, s3;
	s6 =	simm.s32 @!p1 $0x1082;
	[sflag:s4] =	ssyncset.s32 $0xFFFFF086  }
0x25: {  	[simem:s6], [sflag:s4] =	dma.local [hbm:s3], $0xF7A  }
0x26: {  	[smem:$0x3F9E] =	sst s1;
	(tag) =	ssettag s2;
	_ =	strace s9  }
0x27: {  	s1 =	sld [smem:$0x3FAE]  }
0x28: {  	s2 =	sld [smem:$0x3FAF]  }
0x29: {  	s4 =	sld [smem:$0x3FB1]  }
0x2a: {  	p0 =	seq.s32 s5, $0x0;
	s5 =	sld [smem:$0x3FB2]  }
0x2b: {  	s6 =	sld [smem:$0x3FB3]  }
0x2c: {  	s7 =	sld [smem:$0x3FB4]  }
0x2d: {  	s3 =	simm.s32 $0x108;
	s8 =	sld [smem:$0x3FB5]  }
0x2e: {  	s3 =	simm.s32 @!p0 $0x1082;
	s9 =	sld [smem:$0x3FB6]  }
0x2f: {  	lr =	sadd.s32 s0, s3;
	s0 =	sld [smem:$0x3FAD]  }
0x30: {  	s3 =	sld [smem:$0x3FB0]  }
0x31: {  	[smem:$0x3FB9] =	sst s10  }
0x32: {  	s10 =	sld [smem:$0x3FB7];
	_ =	sdelay $0x3  }
0x33: {  	p0 =	seq.s32 s10, $0x1;
	s10 =	sld [smem:$0x3FB9];
	_ =	sdelay $0x3  }
0x34: {  	[smem:$0x3FB9] =	sst s10  }
0x35: {  	s10 =	sld [smem:$0x3FB8];
	_ =	sdelay $0x3  }
0x36: {  	p1 =	seq.s32 s10, $0x1;
	s10 =	sld [smem:$0x3FB9];
	_ =	sdelay $0x3  }
0x37: {  	[smem:$0x3FB9] =	sst s10  }
0x38: {  	s10 =	sld [smem:$0x3FBA]  }
0x39: {  	_ = 	snop;
	(pc) =	sbr.ind lr, $3  }
0x3a: {  	_ = 	snop  }
0x3b: {  	_ = 	snop  }
0x3c: {  	p2 =	seq.s32 s10, $0x1;
	s10 =	sld [smem:$0x3FB9]  }
0x3d: {  	_ =	shalt  }
0x3e: {  	_ =	shalt  }
0x3f: {  	_ =	shalt  }
0x40: {  	_ =	shalt  }
0x41: {  	_ =	shalt  }
0x42: {  	_ =	shalt  }
0x43: {  	_ =	shalt  }
0x44: {  	_ =	shalt  }
0x45: {  	_ =	shalt  }
0x46: {  	_ =	shalt  }
0x47: {  	_ =	shalt  }
0x48: {  	_ =	shalt  }
0x49: {  	_ =	shalt  }
0x4a: {  	_ =	shalt  }
0x4b: {  	_ =	shalt  }
0x4c: {  	_ =	shalt  }
0x4d: {  	_ =	shalt  }
0x4e: {  	_ =	shalt  }
0x4f: {  	_ =	shalt  }
0x50: {  	_ =	shalt  }
0x51: {  	_ =	shalt  }
0x52: {  	_ =	shalt  }
0x53: {  	_ =	shalt  }
0x54: {  	_ =	shalt  }
0x55: {  	_ =	shalt  }
0x56: {  	_ =	shalt  }
0x57: {  	_ =	shalt  }
0x58: {  	_ =	shalt  }
0x59: {  	_ =	shalt  }
0x5a: {  	_ =	shalt  }
0x5b: {  	_ =	shalt  }
0x5c: {  	_ =	shalt  }
0x5d: {  	_ =	shalt  }
0x5e: {  	_ =	shalt  }
0x5f: {  	_ =	shalt  }
0x60: {  	_ =	shalt  }
0x61: {  	_ =	shalt  }
0x62: {  	_ =	shalt  }
0x63: {  	_ =	shalt  }
0x64: {  	_ =	shalt  }
0x65: {  	_ =	shalt  }
0x66: {  	_ =	shalt  }
0x67: {  	_ =	shalt  }
0x68: {  	_ =	shalt  }
0x69: {  	_ =	shalt  }
0x6a: {  	_ =	shalt  }
0x6b: {  	_ =	shalt  }
0x6c: {  	_ =	shalt  }
0x6d: {  	_ =	shalt  }
0x6e: {  	_ =	shalt  }
0x6f: {  	_ =	shalt  }
0x70: {  	_ =	shalt  }
0x71: {  	_ =	shalt  }
0x72: {  	_ =	shalt  }
0x73: {  	_ =	shalt  }
0x74: {  	_ =	shalt  }
0x75: {  	_ =	shalt  }
0x76: {  	_ =	shalt  }
0x77: {  	_ =	shalt  }
0x78: {  	_ =	shalt  }
0x79: {  	_ =	shalt  }
0x7a: {  	_ =	shalt  }
0x7b: {  	_ =	shalt  }
0x7c: {  	_ =	shalt  }
0x7d: {  	_ =	shalt  }
0x7e: {  	_ =	shalt  }
0x7f: {  	_ =	shalt  }
0x80: {  	_ =	shalt  }
0x81: {  	_ =	shalt  }
0x82: {  	_ =	shalt  }
0x83: {  	_ =	shalt  }
0x84: {  	_ =	shalt  }
0x85: {  	_ =	shalt  }
0x86: {  	_ =	shalt  }
0x87: {  	_ =	shalt  }
.Lfunc_end0:
.L_simem_size_0:
called_computation_lowered:
.L_overlay_start_0:
0x88: {  	s2 =	sld [smem:$0x3FD9]  }
0x89: {  	s3 =	sld [smem:$0x3FFE];
	_ =	sdelay $0x1  }
0x8a: {  	s1 =	srdreg.scid  }
0x8b: {  	s0 =	sand.u32 $0x1, s1  }
0x8c: {  	s17 =	sshll.u32 s0, $0xA;
	s2 =	sadd.s32 s3, s2  }
0x8d: {  	s2 =	sadd.s32 s2, s17  }
0x8e: {  	[smem:$0x3FC5] =	sst s2  }
0x8f: {  	_ = 	snop  }
0x90: {  	s2 =	sld [smem:$0x3FD0];
	(tm) =	ssettm $0x1  }
0x91: {  	s18 =	sld [smem:$0x3FFB];
	_ =	sdelay $0x3  }
0x92: {  	_ =	strace s18  }
0x93: {  	s3 =	sld [smem:$0x3FFC];
	_ =	sdelay $0x3  }
0x94: {  	_ =	strace s3  }
0x95: {  	s3 =	sld [smem:$0x3FFD];
	_ =	sdelay $0x3  }
0x96: {  	_ =	strace s3  }
0x97: {  	_ =	strace $0x8FFFFFFF  }
0x98: {  	s19 =	sld [smem:$0x3FDB];
	_ =	sdelay $0x1  }
0x99: {  	s4 =	simm.s32 $_scs_section_size  }
0x9a: {  	s5 =	simm.s32 $_size__tile_overlayer_lowered;
	s6 =	simm.s32 $_tile_overlayer_lowered  }
0x9b: {  	s22 =	simm.s32 $0x1BFF;
	s21 =	sshll.u32 s6, $0x1;
	s3 =	sadd.s32 s4, s19  }
0x9c: {  	s7 =	simm.s32 $0x0;
	s20 =	sshll.u32 s5, $0x1;
	s5 =	sadd.s32 s21, s3  }
0x9d: {  	[timem:s7], [sflag:s22] =	dma.local [hbm:s5], s20  }
0x9e: {  	_ =	swait.ge [sflag:s22], s20  }
0x9f: {  	s4 =	ssub.s32 $0x0, s20;
	[sflag:s22] =	ssyncset.done $0x0  }
0xa0: {  	[sflag:s22] =	ssyncadd.s32 s4;
	_ =	sdelay $0x1  }
0xa1: {  	s23 =	simm.s32 $0x1B8B  }
0xa2: {  	_ =	swait.ge [sflag:s23], $0x1  }
0xa3: {  	[sflag:s23] =	ssyncset.done $0x0  }
0xa4: {  	s25 =	simm.s32 $0x1B8E;
	s24 =	sld [smem:$0x3FFE];
	[sflag:s23] =	ssyncadd.s32 $0xFFFFFFFF  }
0xa5: {  	s26 =	simm.s32 $execute0_lowered;
	[smem:$0x3FD2] =	sst s25  }
0xa6: {  	s5 =	sshll.u32 s26, $0x1;
	_ =	strace $0x80000046;
	[dreg:$0x1] =	wrdreg $0xFFFFFFFF  }
0xa7: {  	s28 =	simm.s32 $_size_execute0_lowered;
	s3 =	sadd.s32 s3, s5;
	[dreg:$0x0] =	wrdreg $0x0  }
0xa8: {  	s5 =	sshll.u32 s28, $0x1;
	[dreg:$0x2] =	wrdreg s3  }
0xa9: {  	[dreg:$0x3] =	wrdreg s5  }
0xaa: {  	[dreg:$0x4] =	wrdreg $0xC0  }
0xab: {  	_ =	task [dreg:s7], $0x5FFFF  }
0xac: {  	[dreg:$0x1] =	wrdreg $0xFFFFFFFF  }
0xad: {  	[dreg:$0x0] =	wrdreg $0x60  }
0xae: {  	[dreg:$0x2] =	wrdreg s24  }
0xaf: {  	[dreg:$0x3] =	wrdreg s2  }
0xb0: {  	[dreg:$0x4] =	wrdreg $0x9  }
0xb1: {  	_ =	task.clear_ibuf [dreg:s7], $0x5FFFF;
	_ =	strace $0x90000046  }
0xb2: {  	s29 =	simm.s32 $0x9;
	_ =	strace $0x80000048  }
0xb3: {  	_ =	swait.ge [sflag:s29], $0x1  }
0xb4: {  	[sflag:s29] =	ssyncadd.s32 $0xFFFFFFFF  }
0xb5: {  	_ =	strace $0x90000048  }
0xb6: {  	_ =	sfence  }
0xb7: {  	s30 =	sld [smem:$0x0];
	_ =	sdelay $0x2  }
0xb8: {  	s31 =	sshll.u32 s1, $0xD;
	s1 =	sshrl.u32 s1, $0x2  }
0xb9: {  	s3 =	sand.u32 $0x4000, s31;
	s1 =	sadd.s32 s1, s30  }
0xba: {  	s0 =	sor.u32 s3, s0;
	s1 =	sshll.u32 s1, $0x11  }
0xbb: {  	s0 =	sor.u32 s1, s0  }
0xbc: {  	s0 =	sadd.s32 $0x8F2B, s0  }
0xbd: {  	[sflag:s0] =	ssyncadd.remote.s32 $0x1  }
0xbe: {  	_ =	sfence.sel $0xFFFF  }
0xbf: {  	[dreg:$0x0] =	wrdreg $0xFFFFFFFF;
	(pc) =	sbr.abs _section_cstart, $3  }
0xc0: {  	[dreg:$0x1] =	wrdreg $0xFFFFFFFF  }
0xc1: {  	_ =	task.clear_ibuf [dreg:s7], $0x2FFFF;
	_ =	strace $0x9FFFFFFF  }
0xc2: {  	(tm) =	ssettm $0x7FFFFFFF  }
0xc3: {  	_ =	shalt  }
tec
execute0_lowered:
.L_overlay_start_1:
0x0: {  	(tag) =	ssettag $0x1  }
0x1: {  	s1 =	srdreg.scid;
	s0 =	stileid.u32  }
0x2: {  	v2 =	vlaneseq.u32;
	s5 =	sand.u32 $0x1, s1;
	s30 =	sshll.u32 s0, $0x1  }
0x3: {  	v0 =	vand.u32 $0x3, v2;
	s10 =	sor.u32 s5, s30  }
0x4: {  	v0 =	vmul.u32 $0xFFFFFFFF, v0;
	s1 =	sshll.u32 s10, $0x2  }
0x5: {  	s1 =	sadd.s32 $0xC0, s1  }
0x6: {  	v0 =	vadd.s32 $0xFF, v0;
	v1 =	vmov s1  }
0x7: {  	v0 =	vsub.s32 v0, v1  }
0x8: {  	v1 =	vsub.s32 $0x0, v0  }
0x9: {  	v0 =	vmin.u32 v0, v1  }
0xa: {  	v1 =	vshrl.u32 v0, $0x1  }
0xb: {  	s7 =	rddreg [dreg:$0x0];
	v1 =	vmin.u32 v1, $0x1F  }
0xc: {  	s11 =	rddreg [dreg:$0x1];
	s2 =	simm.s32 $0x0;
	vm0 =	vmmov $0xf;
	v0 =	vmin.u32 v0, $0x20;
	v1 =	vadd.s32 $0x21, v1  }
0xd: {  	[smem:$0x7FF] =	sst s2;
	v0 =	vsel vm0, v0, v1  }
0xe: {  	s1 =	rddreg [dreg:$0x2];
	_ =	strace $0x80000047;
	[tilespmem:$0x0] =	vst v0  }
0xf: {  	v1 =	vld.msk [tilespmem:$0x0], $0xff;
	_ =	sdelay $0x4  }
0x10: {  	v3 =	vshrl.u32 v1, $0x3  }
0x11: {  	v3 =	vmul.u32 $0x30, v3  }
0x12: {  	v4 =	vand.u32 $0x7, v1  }
0x13: {  	v1 =	vand.u32 $0x7, v2;
	v2 =	vshrl.u32 v2, $0x3;
	v3 =	vor.u32 v4, v3  }
0x14: {  	v2 =	vmul.u32 $0x8, v2;
	v3 =	vperm.xlane v3, v1;
	_ =	sdelay $0x1  }
0x15: {  	v3 =	vadd.s32 v2, v3;
	_ =	sdelay $0x2  }
0x16: {  	s4 =	simm.s32 $0x80;
	s12 =	ssub.s32 $0x2, s5  }
0x17: {  	s6 =	simm.s32 $0x880;
	s3 =	sadd.s32 $0x600, s7;
	s13 =	sshrl.u32 s12, $0x1;
	vm0 =	vmmov $0xffff  }
0x18: {  	[tilespmem:s4], [sflag:$0x1] =	stream.indirect_vreg.gather [hbm4b:s3+s2], $0x80, v3, vm0, $0xb8;
	[tilespmem:$0x1880] =	vst v63  }
0x19: {  	s9 =	simm.s32 $0x1080;
	s5 =	sadd.s32 $0x700, s7;
	s12 =	ssub.s32 s12, s13  }
0x1a: {  	[tilespmem:s6], [sflag:$0x1] =	stream.indirect_vreg.gather [hbm4b:s5+s2], $0x80, v3, vm0, $0xb8;
	[tilespmem:$0x1880] =	vst v63  }
0x1b: {  	s8 =	simm.s32 $0x1;
	s7 =	sadd.s32 $0x800, s7;
	s31 =	smax.u32 s12, $0x1  }
0x1c: {  	[tilespmem:s9], [sflag:$0x1] =	stream.indirect_vreg.gather [hbm4b:s7+s2], $0x80, v3, vm0, $0xb8;
	[tilespmem:$0x1880] =	vst v63  }
0x1d: {  	s10 =	smul.u32 $0x300, s10;
	p0 =	sne.s32 s31, $0x1;
	_ =	swait.ge [sflag:s8], $0x1800  }
.Ltmp0:
0x1e: {  	[sflag:s8] =	ssyncset.done $0x0;
	(pc) =	sbr.rel @!p0 .LBB2_2-.Ltmp0, $4  }
0x1f: {  	s10 =	sadd.s32 s11, s10;
	[sflag:s8] =	ssyncadd.s32 $0xFFFFE800  }
0x20: {  	[hbm4b:s10+s2] =	stream.linear.scatter [tilespmem:s4], [sflag:$0x1], $0x1800, $0x38;
	[tilespmem:$0x1880] =	vst v63  }
0x21: {  	_ =	swait.ge [sflag:s8], $0x1800  }
0x22: {  	s11 =	sadd.s32 $0xFFFFFFFF, s31;
	[sflag:s8] =	ssyncset.done $0x0  }
.LBB2_1:
0x23: {  	p0 =	sne.s32 s11, $0x1;
	s11 =	sadd.s32 $0xFFFFFFFF, s11;
	[sflag:s8] =	ssyncadd.s32 $0xFFFFE800  }
0x24: {  	[tilespmem:$0x0] =	vst v0  }
0x25: {  	v3 =	vld.msk [tilespmem:$0x0], $0xff;
	_ =	sdelay $0x4  }
0x26: {  	v4 =	vshrl.u32 v3, $0x3  }
0x27: {  	v4 =	vmul.u32 $0x30, v4  }
0x28: {  	v3 =	vand.u32 $0x7, v3  }
0x29: {  	v3 =	vor.u32 v3, v4  }
0x2a: {  	v3 =	vperm.xlane v3, v1;
	_ =	sdelay $0x1  }
0x2b: {  	v3 =	vadd.s32 v2, v3;
	_ =	sdelay $0x4  }
0x2c: {  	[tilespmem:s4], [sflag:$0x1] =	stream.indirect_vreg.gather [hbm4b:s3+s2], $0x80, v3, vm0, $0xb8;
	[tilespmem:$0x1880] =	vst v63  }
0x2d: {  	_ = 	snop  }
0x2e: {  	[tilespmem:s6], [sflag:$0x1] =	stream.indirect_vreg.gather [hbm4b:s5+s2], $0x80, v3, vm0, $0xb8;
	[tilespmem:$0x1880] =	vst v63  }
0x2f: {  	_ = 	snop  }
0x30: {  	[tilespmem:s9], [sflag:$0x1] =	stream.indirect_vreg.gather [hbm4b:s7+s2], $0x80, v3, vm0, $0xb8;
	[tilespmem:$0x1880] =	vst v63  }
0x31: {  	_ =	swait.ge [sflag:s8], $0x1800  }
.Ltmp1:
0x32: {  	[sflag:s8] =	ssyncset.done $0x0;
	(pc) =	sbr.rel @p0 .LBB2_1-.Ltmp1, $4  }
0x33: {  	[sflag:s8] =	ssyncadd.s32 $0xFFFFE800  }
0x34: {  	[hbm4b:s10+s2] =	stream.linear.scatter [tilespmem:s4], [sflag:$0x1], $0x1800, $0x38;
	[tilespmem:$0x1880] =	vst v63  }
0x35: {  	_ =	swait.ge [sflag:s8], $0x1800  }
0x36: {  	[sflag:s8] =	ssyncset.done $0x0  }
.LBB2_2:
0x37: {  	[sflag:s8] =	ssyncadd.s32 $0xFFFFE800  }
0x38: {  	_ =	sfence.sel $0x180000  }
0x39: {  	[bflag:$0x0] =	sbarrier.arrive $0xFFFF  }
0x3a: {  	p0 =	sne.s32 s0, $0x0;
	_ =	strace $0x90000047  }
0x3b: {  	s0 =	sadd.s32 @!p0 $0x100000, s1;
	[bflag:$0x2] =	sbarrier.arrive $0xFFFF  }
0x3c: {  	[sflag:s0] =	ssyncadd.tile.s32 @!p0 $0x1;
	_ =	shalt  }
.Lfunc_end2:
_tile_overlayer_lowered:
.L_overlay_start_2:
0x3d: {  	(tag) =	ssettag $0x2  }
0x3e: {  	s0 =	rddreg [dreg:$0x0];
	s2 =	stileid.u32  }
0x3f: {  	s1 =	rddreg [dreg:$0x1];
	p0 =	sne.s32 s2, $0x0  }
0x40: {  	s3 =	rddreg [dreg:$0x2];
	[bflag:$0x3] =	sbarrier.arrive $0xFFFF;
	s2 =	simm.s32 @!p0 $0x1C02  }
0x41: {  	[timem:s3], [sflag:s2] =	dma.local @!p0 [hbm:s0], s1  }
0x42: {  	s0 =	simm.s32 @!p0 $0x2  }
0x43: {  	_ =	swait.ge @!p0 [sflag:s0], s1  }
0x44: {  	s1 =	ssub.s32 @!p0 $0x0, s1;
	[sflag:s0] =	ssyncset.done @!p0 $0x0  }
0x45: {  	[sflag:s0] =	ssyncadd.s32 @!p0 s1  }
0x46: {  	[bflag:$0x3] =	sbarrier.arrive $0xFFFF  }
0x47: {  	_ =	shalt  }

</sc_bundles>
